<compile_context>
chip_gen: v7x
topology: tpu7x:2x2x1
jax: 0.10.2.dev20260603
libtpu: 0.0.44.dev20260713+nightly
codegen_flags: <defaults>
</compile_context>

<pallas_src>
import functools

import jax
import jax.numpy as jnp
from jax import lax
from jax.experimental import pallas as pl
from jax.experimental.pallas import tpu as pltpu
from jax.experimental.pallas import tpu_sc as plsc

SIZE = 512
K = SIZE * SIZE
E = 2000
PPI = 1024
N = E * PPI
THRESH = 0.5
NC, NS = 2, 16
NOCT = 8
NSH = 4
KPO = K // NOCT
NPS = N // NSH
KPQ = KPO // NSH
CHUNK = 16000
NCHUNK = NPS // CHUNK
VPC = CHUNK // 16
BIG = 1 << 30


def _key_body(x_ref, y_ref, p_ref, o_ref):
    o_ref[...] = jnp.where(p_ref[...] >= THRESH,
                           x_ref[...] * SIZE + y_ref[...],
                           -1)


def _compute_keys(x2, y2, p2):
    return pl.pallas_call(
        _key_body,
        out_shape=jax.ShapeDtypeStruct((E, PPI), jnp.int32),
        grid=(50,),
        in_specs=[pl.BlockSpec((E // 50, PPI), lambda i: (i, 0))] * 3,
        out_specs=pl.BlockSpec((E // 50, PPI), lambda i: (i, 0)),
    )(x2, y2, p2)


def _sc_body(key_hbm, prob_hbm, out_hbm,
             kbuf, pbuf, maxtab, idxtab, accp, acci, labbuf,
             stage_p, stage_i):
    cid = lax.axis_index("c")
    sid = lax.axis_index("s")
    oct_ = cid * 4 + sid // 4
    sh = sid % 4
    kbase = oct_ * KPO
    iota = lax.iota(jnp.int32, 16)
    zf = jnp.zeros((16,), jnp.float32)
    bigv = jnp.full((16,), BIG, jnp.int32)

    def init_body(i, _):
        maxtab[pl.ds(i * 16, 16)] = zf
        idxtab[pl.ds(i * 16, 16)] = bigv
        return 0
    lax.fori_loop(0, KPO // 16, init_body, 0)

    def any_(v):
        return jnp.any(v)

    def chunk_body(c, _):
        base = sh * NPS + c * CHUNK
        pltpu.sync_copy(key_hbm.at[pl.ds(base, CHUNK)], kbuf)
        pltpu.sync_copy(prob_hbm.at[pl.ds(base, CHUNK)], pbuf)

        def vreg_body(j, _):
            kv = kbuf[pl.ds(j * 16, 16)]
            lk = kv - kbase
            m = (lk >= 0) & (lk < KPO)

            @pl.when(jnp.any(m) & (j < 0))
            def _():
                pv = pbuf[pl.ds(j * 16, 16)]
                lkc = jnp.clip(lk, 0, KPO - 1)
                iv = (base + j * 16) + iota
                mx0 = plsc.load_gather(maxtab, [lkc], mask=m)
                w0 = m & (pv > mx0)

                def body1(w):
                    plsc.store_scatter(maxtab, [lkc], pv, mask=w)
                    cur = plsc.load_gather(maxtab, [lkc], mask=w)
                    return w & (pv > cur)
                lax.while_loop(any_, body1, w0)
                mxf = plsc.load_gather(maxtab, [lkc], mask=m)
                e = m & (pv == mxf)

                @pl.when(any_(e))
                def _():
                    rise = m & (mxf > mx0)
                    plsc.store_scatter(idxtab, [lkc], bigv, mask=rise)
                    ix0 = plsc.load_gather(idxtab, [lkc], mask=e)
                    w2 = e & (iv < ix0)

                    def body2(w):
                        plsc.store_scatter(idxtab, [lkc], iv, mask=w)
                        cur = plsc.load_gather(idxtab, [lkc], mask=w)
                        return w & (iv < cur)
                    lax.while_loop(any_, body2, w2)
            return 0
        lax.fori_loop(0, VPC, vreg_body, 0)
        return 0
    lax.fori_loop(0, NCHUNK, chunk_body, 0)

    wid = cid * NS + sid
    pltpu.sync_copy(maxtab, stage_p.at[wid])
    pltpu.sync_copy(idxtab, stage_i.at[wid])
    plsc.subcore_barrier()

    og = sid // 4
    q = sid % 4
    qoff = q * KPQ

    def merge_shard(shi, _):
        row = cid * NS + og * 4 + shi
        pltpu.sync_copy(stage_p.at[row, pl.ds(qoff, KPQ)],
                        pbuf.at[pl.ds(0, KPQ)])
        pltpu.sync_copy(stage_i.at[row, pl.ds(qoff, KPQ)],
                        kbuf.at[pl.ds(0, KPQ)])

        def mbody(v, _):
            sl = pl.ds(v * 16, 16)
            pm = pbuf[sl]
            im = kbuf[sl]
            ap = accp[sl]
            ai = acci[sl]
            better = (pm > ap) | ((pm == ap) & (im < ai))
            accp[sl] = jnp.where(better, pm, ap)
            acci[sl] = jnp.where(better, im, ai)
            return 0

        def mbody0(v, _):
            sl = pl.ds(v * 16, 16)
            accp[sl] = pbuf[sl]
            acci[sl] = kbuf[sl]
            return 0

        @pl.when(shi == 0)
        def _():
            lax.fori_loop(0, KPQ // 16, mbody0, 0)

        @pl.when(shi != 0)
        def _():
            lax.fori_loop(0, KPQ // 16, mbody, 0)
        return 0
    lax.fori_loop(0, NSH, merge_shard, 0)

    def lab_body(i, _):
        sl = pl.ds(i * 16, 16)
        mx = accp[sl]
        mi = acci[sl]
        labbuf[sl] = jnp.where(mx >= THRESH,
                               ((mi >> 10) + 1).astype(jnp.float32),
                               0.0)
        return 0
    lax.fori_loop(0, KPQ // 16, lab_body, 0)
    pltpu.sync_copy(labbuf, out_hbm.at[pl.ds(kbase + qoff, KPQ)])


_sc_call = functools.partial(
    pl.kernel,
    out_type=jax.ShapeDtypeStruct((K,), jnp.float32),
    mesh=plsc.VectorSubcoreMesh(core_axis_name="c", subcore_axis_name="s"),
    compiler_params=pltpu.CompilerParams(needs_layout_passes=False),
    scratch_types=[
        pltpu.VMEM((CHUNK,), jnp.int32),
        pltpu.VMEM((CHUNK,), jnp.float32),
        pltpu.VMEM((KPO,), jnp.float32),
        pltpu.VMEM((KPO,), jnp.int32),
        pltpu.VMEM((KPQ,), jnp.float32),
        pltpu.VMEM((KPQ,), jnp.int32),
        pltpu.VMEM((KPQ,), jnp.float32),
        pltpu.MemorySpace.HBM((NC * NS, KPO), jnp.float32),
        pltpu.MemorySpace.HBM((NC * NS, KPO), jnp.int32),
    ],
)(_sc_body)


def kernel(prob_input, coords_input):
    p2 = prob_input.reshape(E, PPI)
    x2 = coords_input[0].reshape(E, PPI)
    y2 = coords_input[1].reshape(E, PPI)
    key2 = _compute_keys(x2, y2, p2)
    out = _sc_call(key2.reshape(-1), p2.reshape(-1))
    return out.reshape(SIZE, SIZE)

# --- scband reference (transcript-rebuilt; emitter-appended) ---
"""Pipeline reference for scband-instan-seg-torchscript-76802605187431 (READ-ONLY COPY).

The authoritative reference and input builder live on the scoring server;
editing this copy changes nothing except your own understanding.
"""

import jax, jax.numpy as jnp
import numpy as np

SIZE_H = 512
SIZE_W = 512
MASK_THRESHOLD = 0.5


def setup_inputs(seed: int = 0):
    key = jax.random.key(seed)
    k1, k2, k3 = jax.random.split(key, 3)
    prob_input = jax.random.uniform(k1, (2000, 1, 32, 32), dtype=jnp.float32)
    cx = jax.random.randint(k2, (2000, 1, 32, 32), 0, SIZE_W)
    cy = jax.random.randint(k3, (2000, 1, 32, 32), 0, SIZE_H)
    coords_input = jnp.stack([cx, cy]).astype(jnp.int32)
    return {"prob_input": prob_input, "coords_input": coords_input}


def _convert(prob_input, coords_input):
    # Faithful static-shape translation of InstanSeg's `convert`:
    # per-pixel NMS that resolves overlapping instance masks by keeping,
    # for every output pixel, the instance with the highest probability.
    E = prob_input.shape[0]
    all_labels = jnp.arange(1, E + 1, dtype=jnp.float32)
    labels = (jnp.ones_like(prob_input) * all_labels.reshape(-1, 1, 1, 1)).reshape(-1)
    prob = prob_input.reshape(-1)
    x = coords_input[0].reshape(-1)
    y = coords_input[1].reshape(-1)
    # threshold mask (torch: boolean compression; here: push invalid keys to a
    # sentinel bucket so shapes stay static -- same math, same winners)
    valid = prob >= MASK_THRESHOLD
    big = SIZE_H * SIZE_W + 1
    key0 = jnp.where(valid, x * SIZE_W + y, big)
    # stable sort by prob descending (torch: argsort(descending=True, stable=True))
    order1 = jnp.argsort(-prob)
    key0 = key0[order1]
    x1 = x[order1]
    y1 = y[order1]
    lab1 = labels[order1]
    val1 = valid[order1]
    # stable sort by flattened pixel key ascending -> within a pixel,
    # highest-prob candidate comes first
    order2 = jnp.argsort(key0)
    key0 = key0[order2]
    x2 = x1[order2]
    y2 = y1[order2]
    lab2 = lab1[order2]
    val2 = val1[order2]
    # unique-first per pixel key (torch: inds_unique)
    first = jnp.ones(key0.shape, dtype=bool).at[1:].set(key0[1:] != key0[:-1])
    write = first & val2
    xi = jnp.where(write, x2, SIZE_H)  # out-of-range -> dropped by scatter
    yi = jnp.where(write, y2, SIZE_W)
    vals = jnp.where(write, lab2, 0.0)
    output = jnp.zeros((SIZE_H, SIZE_W), dtype=jnp.float32)
    output = output.at[xi, yi].set(vals, mode='drop')
    return output


def reference(prob_input, coords_input):
    return _convert(prob_input, coords_input)

if __name__ == "__main__":
    import jax
    _d = setup_inputs()
    print(jax.jit(kernel)(*tuple(_d.values())))

</pallas_src>

<mosaic_0001>
#map = affine_map<(d0, d1) -> (0)>
module attributes {stable_mosaic.version = 14 : i64} {
  func.func @_sc_body(%arg0: i32, %arg1: i32, %arg2: memref<2048000xi32, #tpu.memory_space<hbm>>, %arg3: memref<2048000xf32, #tpu.memory_space<hbm>>, %arg4: memref<262144xf32, #tpu.memory_space<hbm>>, %arg5: memref<16000xi32, #tpu.memory_space<vmem>>, %arg6: memref<16000xf32, #tpu.memory_space<vmem>>, %arg7: memref<32768xf32, #tpu.memory_space<vmem>>, %arg8: memref<32768xi32, #tpu.memory_space<vmem>>, %arg9: memref<8192xf32, #tpu.memory_space<vmem>>, %arg10: memref<8192xi32, #tpu.memory_space<vmem>>, %arg11: memref<8192xf32, #tpu.memory_space<vmem>>, %arg12: memref<32x32768xf32, #tpu.memory_space<hbm>>, %arg13: memref<32x32768xi32, #tpu.memory_space<hbm>>) attributes {dimension_semantics = [#tpu.dimension_semantics<core_parallel>, #tpu.dimension_semantics<subcore_parallel>], iteration_bounds = array<i64: 2, 16>, scalar_prefetch = 0 : i64, scratch_operands = 9 : i64, tpu.core_type = #tpu.core_type<sc_vector_subcore>, window_params = [{transform_indices = #map}, {transform_indices = #map}, {transform_indices = #map}]} {
    %mul3A = arith.constant 4 : i32
    %mul3A_0 = arith.muli %arg0, %mul3A : i32
    %jit3A = arith.constant 4 : i32
    %div3A = arith.divsi %arg1, %jit3A : i32
    %sign3A = arith.constant 0 : i32
    %sign3A_1 = arith.cmpi sgt, %arg1, %sign3A : i32
    %sign3A_2 = arith.extui %sign3A_1 : i1 to i32
    %sign3A_3 = arith.constant 0 : i32
    %sign3A_4 = arith.cmpi slt, %arg1, %sign3A_3 : i32
    %sign3A_5 = arith.extui %sign3A_4 : i1 to i32
    %sign3A_6 = arith.subi %sign3A_2, %sign3A_5 : i32
    %sign3A_7 = arith.constant 0 : i32
    %sign3A_8 = arith.cmpi sgt, %jit3A, %sign3A_7 : i32
    %sign3A_9 = arith.extui %sign3A_8 : i1 to i32
    %sign3A_10 = arith.constant 0 : i32
    %sign3A_11 = arith.cmpi slt, %jit3A, %sign3A_10 : i32
    %sign3A_12 = arith.extui %sign3A_11 : i1 to i32
    %sign3A_13 = arith.subi %sign3A_9, %sign3A_12 : i32
    %ne3A = arith.cmpi ne, %sign3A_6, %sign3A_13 : i32
    %rem3A = arith.remsi %arg1, %jit3A : i32
    %ne3A_14 = arith.constant 0 : i32
    %ne3A_15 = arith.cmpi ne, %rem3A, %ne3A_14 : i32
    %and3A = arith.andi %ne3A, %ne3A_15 : i1
    %sub3A = arith.constant 1 : i32
    %sub3A_16 = arith.subi %div3A, %sub3A : i32
    %select_n3A = arith.select %and3A, %sub3A_16, %div3A : i32
    %add3A = arith.addi %mul3A_0, %select_n3A : i32
    %jit3A_17 = arith.constant 4 : i32
    %eq3A = arith.constant 0 : i32
    %eq3A_18 = arith.cmpi eq, %jit3A_17, %eq3A : i32
    %jit3A_19 = arith.constant 1 : i32
    %select_n3A_20 = arith.select %eq3A_18, %jit3A_19, %jit3A_17 : i32
    %rem3A_21 = arith.remsi %arg1, %select_n3A_20 : i32
    %ne3A_22 = arith.constant 0 : i32
    %ne3A_23 = arith.cmpi ne, %rem3A_21, %ne3A_22 : i32
    %lt3A = arith.constant 0 : i32
    %lt3A_24 = arith.cmpi slt, %rem3A_21, %lt3A : i32
    %lt3A_25 = arith.constant 0 : i32
    %lt3A_26 = arith.cmpi slt, %select_n3A_20, %lt3A_25 : i32
    %ne3A_27 = arith.xori %lt3A_24, %lt3A_26 : i1
    %and3A_28 = arith.andi %ne3A_27, %ne3A_23 : i1
    %add3A_29 = arith.addi %rem3A_21, %select_n3A_20 : i32
    %select_n3A_30 = arith.select %and3A_28, %add3A_29, %rem3A_21 : i32
    %mul3A_31 = arith.constant 32768 : i32
    %mul3A_32 = arith.muli %add3A, %mul3A_31 : i32
    %iota3A = tpu.iota {dimensions = array<i32: 0>} : vector<16xi32>
    %broadcast_in_dim3A = arith.constant 0.000000e+00 : f32
    %broadcast_in_dim3A_33 = vector.broadcast %broadcast_in_dim3A : f32 to vector<16xf32>
    %broadcast_in_dim3A_34 = arith.constant 1073741824 : i32
    %broadcast_in_dim3A_35 = vector.broadcast %broadcast_in_dim3A_34 : i32 to vector<16xi32>
    %scan3A = arith.constant 0 : i32
    %scan3A_36 = arith.constant 0 : i32
    %scan3A_37 = arith.constant 2048 : i32
    %scan3A_38 = arith.addi %scan3A_36, %scan3A_37 : i32
    %scan3A_39 = arith.constant 1 : i32
    %scan3A_40 = scf.for %scan3A_109 = %scan3A_36 to %scan3A_38 step %scan3A_39 iter_args(%scan3A_110 = %scan3A) -> (i32)  : i32 {
      %mul3A_111 = arith.constant 16 : i32
      %mul3A_112 = arith.muli %scan3A_109, %mul3A_111 : i32
      %swap3A = arith.index_cast %mul3A_112 : i32 to index
      %swap3A_113 = tpu.vector_load %arg7[%swap3A] {strides = array<i32>} : memref<32768xf32, #tpu.memory_space<vmem>>, vector<16xf32>,
      tpu.vector_store %arg7[%swap3A], %broadcast_in_dim3A_33 {strides = array<i32>} : memref<32768xf32, #tpu.memory_space<vmem>>, vector<16xf32>,
      %mul3A_114 = arith.constant 16 : i32
      %mul3A_115 = arith.muli %scan3A_109, %mul3A_114 : i32
      %swap3A_116 = arith.index_cast %mul3A_115 : i32 to index
      %swap3A_117 = tpu.vector_load %arg8[%swap3A_116] {strides = array<i32>} : memref<32768xi32, #tpu.memory_space<vmem>>, vector<16xi32>,
      tpu.vector_store %arg8[%swap3A_116], %broadcast_in_dim3A_35 {strides = array<i32>} : memref<32768xi32, #tpu.memory_space<vmem>>, vector<16xi32>,
      %scan3A_118 = arith.constant 0 : i32
      scf.yield %scan3A_118 : i32
    }
    %scan3A_41 = arith.constant 2048 : i32
    %scan3A_42 = arith.constant 0 : i32
    %scan3A_43 = arith.constant 0 : i32
    %scan3A_44 = arith.constant 32 : i32
    %scan3A_45 = arith.addi %scan3A_43, %scan3A_44 : i32
    %scan3A_46 = arith.constant 1 : i32
    %scan3A_47 = scf.for %scan3A_109 = %scan3A_43 to %scan3A_45 step %scan3A_46 iter_args(%scan3A_110 = %scan3A_42) -> (i32)  : i32 {
      %mul3A_111 = arith.constant 512000 : i32
      %mul3A_112 = arith.muli %select_n3A_30, %mul3A_111 : i32
      %mul3A_113 = arith.constant 16000 : i32
      %mul3A_114 = arith.muli %scan3A_109, %mul3A_113 : i32
      %add3A_115 = arith.addi %mul3A_112, %mul3A_114 : i32
      "tpu.region"() ({
        %run_scoped3A = tpu.sem_alloc : memref<!tpu.dma_semaphore, #tpu.memory_space<semaphore_mem>>
        %dma_start3A = tpu.memref_slice %arg2[%add3A_115] : memref<2048000xi32, #tpu.memory_space<hbm>> -> memref<16000xi32, #tpu.memory_space<hbm>>
        %dma_start3A_124 = tpu.memref_slice %arg2[%add3A_115] : memref<2048000xi32, #tpu.memory_space<hbm>> -> memref<16000xi32, #tpu.memory_space<hbm>>
        tpu.enqueue_dma source(%dma_start3A_124 : memref<16000xi32, #tpu.memory_space<hbm>>) target(%arg5 : memref<16000xi32, #tpu.memory_space<vmem>>) target_semaphore(%run_scoped3A : memref<!tpu.dma_semaphore, #tpu.memory_space<semaphore_mem>>)
        %dma_wait3A = tpu.memref_slice %arg2[%add3A_115] : memref<2048000xi32, #tpu.memory_space<hbm>> -> memref<16000xi32, #tpu.memory_space<hbm>>
        %dma_wait3A_125 = tpu.memref_slice %arg2[%add3A_115] : memref<2048000xi32, #tpu.memory_space<hbm>> -> memref<16000xi32, #tpu.memory_space<hbm>>
        tpu.wait_dma2 semaphore(%run_scoped3A : memref<!tpu.dma_semaphore, #tpu.memory_space<semaphore_mem>>) src(%dma_wait3A_125 : memref<16000xi32, #tpu.memory_space<hbm>>) dst(%arg5 : memref<16000xi32, #tpu.memory_space<vmem>>)
        tpu.yield
      }) : () -> ()
      "tpu.region"() ({
        %run_scoped3A = tpu.sem_alloc : memref<!tpu.dma_semaphore, #tpu.memory_space<semaphore_mem>>
        %dma_start3A = tpu.memref_slice %arg3[%add3A_115] : memref<2048000xf32, #tpu.memory_space<hbm>> -> memref<16000xf32, #tpu.memory_space<hbm>>
        %dma_start3A_124 = tpu.memref_slice %arg3[%add3A_115] : memref<2048000xf32, #tpu.memory_space<hbm>> -> memref<16000xf32, #tpu.memory_space<hbm>>
        tpu.enqueue_dma source(%dma_start3A_124 : memref<16000xf32, #tpu.memory_space<hbm>>) target(%arg6 : memref<16000xf32, #tpu.memory_space<vmem>>) target_semaphore(%run_scoped3A : memref<!tpu.dma_semaphore, #tpu.memory_space<semaphore_mem>>)
        %dma_wait3A = tpu.memref_slice %arg3[%add3A_115] : memref<2048000xf32, #tpu.memory_space<hbm>> -> memref<16000xf32, #tpu.memory_space<hbm>>
        %dma_wait3A_125 = tpu.memref_slice %arg3[%add3A_115] : memref<2048000xf32, #tpu.memory_space<hbm>> -> memref<16000xf32, #tpu.memory_space<hbm>>
        tpu.wait_dma2 semaphore(%run_scoped3A : memref<!tpu.dma_semaphore, #tpu.memory_space<semaphore_mem>>) src(%dma_wait3A_125 : memref<16000xf32, #tpu.memory_space<hbm>>) dst(%arg6 : memref<16000xf32, #tpu.memory_space<vmem>>)
        tpu.yield
      }) : () -> ()
      %scan3A_116 = arith.constant 0 : i32
      %scan3A_117 = arith.constant 0 : i32
      %scan3A_118 = arith.constant 1000 : i32
      %scan3A_119 = arith.addi %scan3A_117, %scan3A_118 : i32
      %scan3A_120 = arith.constant 1 : i32
      %scan3A_121 = scf.for %scan3A_124 = %scan3A_117 to %scan3A_119 step %scan3A_120 iter_args(%scan3A_125 = %scan3A_116) -> (i32)  : i32 {
        %mul3A_126 = arith.constant 16 : i32
        %mul3A_127 = arith.muli %scan3A_124, %mul3A_126 : i32
        %get3A = arith.index_cast %mul3A_127 : i32 to index
        %get3A_128 = tpu.vector_load %arg5[%get3A] {strides = array<i32>} : memref<16000xi32, #tpu.memory_space<vmem>>, vector<16xi32>,
        %sub3A_129 = vector.broadcast %mul3A_32 : i32 to vector<16xi32>
        %sub3A_130 = arith.subi %get3A_128, %sub3A_129 : vector<16xi32>
        %ge3A = arith.constant 0 : i32
        %ge3A_131 = vector.broadcast %ge3A : i32 to vector<16xi32>
        %ge3A_132 = arith.cmpi sge, %sub3A_130, %ge3A_131 : vector<16xi32>
        %lt3A_133 = arith.constant 32768 : i32
        %lt3A_134 = vector.broadcast %lt3A_133 : i32 to vector<16xi32>
        %lt3A_135 = arith.cmpi slt, %sub3A_130, %lt3A_134 : vector<16xi32>
        %and3A_136 = arith.andi %ge3A_132, %lt3A_135 : vector<16xi1>
        %reduce_or3A = arith.constant 1.000000e+00 : f32
        %reduce_or3A_137 = arith.constant 0.000000e+00 : f32
        %reduce_or3A_138 = vector.broadcast %reduce_or3A : f32 to vector<16xf32>
        %reduce_or3A_139 = vector.broadcast %reduce_or3A_137 : f32 to vector<16xf32>
        %reduce_or3A_140 = arith.select %and3A_136, %reduce_or3A_138, %reduce_or3A_139 : vector<16xi1>, vector<16xf32>
        %reduce_or3A_141 = arith.constant true
        %reduce_or3A_142 = vector.broadcast %reduce_or3A_141 : i1 to vector<16xi1>
        %reduce_or3A_143 = tpu.scan <max>, %reduce_or3A_140 masked %reduce_or3A_142 : vector<16xf32>, vector<16xi1> -> vector<16xf32>
        %reduce_or3A_144 = vector.extract %reduce_or3A_143[15] : f32 from vector<16xf32>
        %reduce_or3A_145 = arith.constant 0.000000e+00 : f32
        %reduce_or3A_146 = arith.cmpf ogt, %reduce_or3A_144, %reduce_or3A_145 : f32
        %lt3A_147 = arith.constant 0 : i32
        %lt3A_148 = arith.cmpi slt, %scan3A_124, %lt3A_147 : i32
        %and3A_149 = arith.andi %reduce_or3A_146, %lt3A_148 : i1
        %convert_element_type3A = arith.extui %and3A_149 : i1 to i32
        %cond3A = arith.constant 0 : i32
        %cond3A_150 = arith.cmpi ne, %convert_element_type3A, %cond3A : i32
        scf.if %cond3A_150 {
          %mul3A_152 = arith.constant 16 : i32
          %mul3A_153 = arith.muli %scan3A_124, %mul3A_152 : i32
          %get3A_154 = arith.index_cast %mul3A_153 : i32 to index
          %get3A_155 = tpu.vector_load %arg6[%get3A_154] {strides = array<i32>} : memref<16000xf32, #tpu.memory_space<vmem>>, vector<16xf32>,
          %jit3A_156 = arith.constant 0 : i32
          %jit3A_157 = arith.constant 32767 : i32
          %max3A = vector.broadcast %jit3A_156 : i32 to vector<16xi32>
          %max3A_158 = arith.maxsi %max3A, %sub3A_130 : vector<16xi32>
          %min3A = vector.broadcast %jit3A_157 : i32 to vector<16xi32>
          %min3A_159 = arith.minsi %min3A, %max3A_158 : vector<16xi32>
          %mul3A_160 = arith.constant 16 : i32
          %mul3A_161 = arith.muli %scan3A_124, %mul3A_160 : i32
          %add3A_162 = arith.addi %add3A_115, %mul3A_161 : i32
          %add3A_163 = vector.broadcast %add3A_162 : i32 to vector<16xi32>
          %add3A_164 = arith.addi %add3A_163, %iota3A : vector<16xi32>
          %gather3A = tpu.vector_load_idx %arg7[%min3A_159] masked %and3A_136 : memref<32768xf32, #tpu.memory_space<vmem>>[vector<16xi32>], vector<16xf32>, vector<16xi1>
          %gt3A = arith.cmpf ogt, %get3A_155, %gather3A : vector<16xf32>
          %and3A_165 = arith.andi %and3A_136, %gt3A : vector<16xi1>
          %while3A = scf.while (%while3A_183 = %and3A_165) : (vector<16xi1>) -> vector<16xi1> {
            %reduce_or3A_184 = arith.constant 1.000000e+00 : f32
            %reduce_or3A_185 = arith.constant 0.000000e+00 : f32
            %reduce_or3A_186 = vector.broadcast %reduce_or3A_184 : f32 to vector<16xf32>
            %reduce_or3A_187 = vector.broadcast %reduce_or3A_185 : f32 to vector<16xf32>
            %reduce_or3A_188 = arith.select %while3A_183, %reduce_or3A_186, %reduce_or3A_187 : vector<16xi1>, vector<16xf32>
            %reduce_or3A_189 = arith.constant true
            %reduce_or3A_190 = vector.broadcast %reduce_or3A_189 : i1 to vector<16xi1>
            %reduce_or3A_191 = tpu.scan <max>, %reduce_or3A_188 masked %reduce_or3A_190 : vector<16xf32>, vector<16xi1> -> vector<16xf32>
            %reduce_or3A_192 = vector.extract %reduce_or3A_191[15] : f32 from vector<16xf32>
            %reduce_or3A_193 = arith.constant 0.000000e+00 : f32
            %reduce_or3A_194 = arith.cmpf ogt, %reduce_or3A_192, %reduce_or3A_193 : f32
            scf.condition(%reduce_or3A_194) %while3A_183 : vector<16xi1>
          } do {
          ^bb0(%while3A_183: vector<16xi1>):
            tpu.vector_store_idx %arg7[%min3A_159], %get3A_155 masked %while3A_183 : memref<32768xf32, #tpu.memory_space<vmem>>[vector<16xi32>], vector<16xf32>, vector<16xi1>
            %gather3A_184 = tpu.vector_load_idx %arg7[%min3A_159] masked %while3A_183 : memref<32768xf32, #tpu.memory_space<vmem>>[vector<16xi32>], vector<16xf32>, vector<16xi1>
            %gt3A_185 = arith.cmpf ogt, %get3A_155, %gather3A_184 : vector<16xf32>
            %and3A_186 = arith.andi %while3A_183, %gt3A_185 : vector<16xi1>
            scf.yield %and3A_186 : vector<16xi1>
          }
          %gather3A_166 = tpu.vector_load_idx %arg7[%min3A_159] masked %and3A_136 : memref<32768xf32, #tpu.memory_space<vmem>>[vector<16xi32>], vector<16xf32>, vector<16xi1>
          %eq3A_167 = arith.cmpf oeq, %get3A_155, %gather3A_166 : vector<16xf32>
          %and3A_168 = arith.andi %and3A_136, %eq3A_167 : vector<16xi1>
          %reduce_or3A_169 = arith.constant 1.000000e+00 : f32
          %reduce_or3A_170 = arith.constant 0.000000e+00 : f32
          %reduce_or3A_171 = vector.broadcast %reduce_or3A_169 : f32 to vector<16xf32>
          %reduce_or3A_172 = vector.broadcast %reduce_or3A_170 : f32 to vector<16xf32>
          %reduce_or3A_173 = arith.select %and3A_168, %reduce_or3A_171, %reduce_or3A_172 : vector<16xi1>, vector<16xf32>
          %reduce_or3A_174 = arith.constant true
          %reduce_or3A_175 = vector.broadcast %reduce_or3A_174 : i1 to vector<16xi1>
          %reduce_or3A_176 = tpu.scan <max>, %reduce_or3A_173 masked %reduce_or3A_175 : vector<16xf32>, vector<16xi1> -> vector<16xf32>
          %reduce_or3A_177 = vector.extract %reduce_or3A_176[15] : f32 from vector<16xf32>
          %reduce_or3A_178 = arith.constant 0.000000e+00 : f32
          %reduce_or3A_179 = arith.cmpf ogt, %reduce_or3A_177, %reduce_or3A_178 : f32
          %convert_element_type3A_180 = arith.extui %reduce_or3A_179 : i1 to i32
          %cond3A_181 = arith.constant 0 : i32
          %cond3A_182 = arith.cmpi ne, %convert_element_type3A_180, %cond3A_181 : i32
          scf.if %cond3A_182 {
            %gt3A_183 = arith.cmpf ogt, %gather3A_166, %gather3A : vector<16xf32>
            %and3A_184 = arith.andi %and3A_136, %gt3A_183 : vector<16xi1>
            tpu.vector_store_idx %arg8[%min3A_159], %broadcast_in_dim3A_35 masked %and3A_184 : memref<32768xi32, #tpu.memory_space<vmem>>[vector<16xi32>], vector<16xi32>, vector<16xi1>
            %gather3A_185 = tpu.vector_load_idx %arg8[%min3A_159] masked %and3A_168 : memref<32768xi32, #tpu.memory_space<vmem>>[vector<16xi32>], vector<16xi32>, vector<16xi1>
            %lt3A_186 = arith.cmpi slt, %add3A_164, %gather3A_185 : vector<16xi32>
            %and3A_187 = arith.andi %and3A_168, %lt3A_186 : vector<16xi1>
            %while3A_188 = scf.while (%while3A_189 = %and3A_187) : (vector<16xi1>) -> vector<16xi1> {
              %reduce_or3A_190 = arith.constant 1.000000e+00 : f32
              %reduce_or3A_191 = arith.constant 0.000000e+00 : f32
              %reduce_or3A_192 = vector.broadcast %reduce_or3A_190 : f32 to vector<16xf32>
              %reduce_or3A_193 = vector.broadcast %reduce_or3A_191 : f32 to vector<16xf32>
              %reduce_or3A_194 = arith.select %while3A_189, %reduce_or3A_192, %reduce_or3A_193 : vector<16xi1>, vector<16xf32>
              %reduce_or3A_195 = arith.constant true
              %reduce_or3A_196 = vector.broadcast %reduce_or3A_195 : i1 to vector<16xi1>
              %reduce_or3A_197 = tpu.scan <max>, %reduce_or3A_194 masked %reduce_or3A_196 : vector<16xf32>, vector<16xi1> -> vector<16xf32>
              %reduce_or3A_198 = vector.extract %reduce_or3A_197[15] : f32 from vector<16xf32>
              %reduce_or3A_199 = arith.constant 0.000000e+00 : f32
              %reduce_or3A_200 = arith.cmpf ogt, %reduce_or3A_198, %reduce_or3A_199 : f32
              scf.condition(%reduce_or3A_200) %while3A_189 : vector<16xi1>
            } do {
            ^bb0(%while3A_189: vector<16xi1>):
              tpu.vector_store_idx %arg8[%min3A_159], %add3A_164 masked %while3A_189 : memref<32768xi32, #tpu.memory_space<vmem>>[vector<16xi32>], vector<16xi32>, vector<16xi1>
              %gather3A_190 = tpu.vector_load_idx %arg8[%min3A_159] masked %while3A_189 : memref<32768xi32, #tpu.memory_space<vmem>>[vector<16xi32>], vector<16xi32>, vector<16xi1>
              %lt3A_191 = arith.cmpi slt, %add3A_164, %gather3A_190 : vector<16xi32>
              %and3A_192 = arith.andi %while3A_189, %lt3A_191 : vector<16xi1>
              scf.yield %and3A_192 : vector<16xi1>
            }
          } else {
          }
        } else {
        }
        %scan3A_151 = arith.constant 0 : i32
        scf.yield %scan3A_151 : i32
      }
      %scan3A_122 = arith.constant 1000 : i32
      %scan3A_123 = arith.constant 0 : i32
      scf.yield %scan3A_123 : i32
    }
    %scan3A_48 = arith.constant 32 : i32
    %mul3A_49 = arith.constant 16 : i32
    %mul3A_50 = arith.muli %arg0, %mul3A_49 : i32
    %add3A_51 = arith.addi %mul3A_50, %arg1 : i32
    "tpu.region"() ({
      %run_scoped3A = tpu.sem_alloc : memref<!tpu.dma_semaphore, #tpu.memory_space<semaphore_mem>>
      %dma_start3A = arith.constant 0 : i32
      %dma_start3A_109 = tpu.memref_slice %arg12[%add3A_51, %dma_start3A] : memref<32x32768xf32, #tpu.memory_space<hbm>> -> memref<1x32768xf32, #tpu.memory_space<hbm>>
      %dma_start3A_110 = tpu.memref_squeeze %dma_start3A_109 : memref<1x32768xf32, #tpu.memory_space<hbm>> -> memref<32768xf32, #tpu.memory_space<hbm>>
      %dma_start3A_111 = arith.constant 0 : i32
      %dma_start3A_112 = tpu.memref_slice %arg12[%add3A_51, %dma_start3A_111] : memref<32x32768xf32, #tpu.memory_space<hbm>> -> memref<1x32768xf32, #tpu.memory_space<hbm>>
      %dma_start3A_113 = tpu.memref_squeeze %dma_start3A_112 : memref<1x32768xf32, #tpu.memory_space<hbm>> -> memref<32768xf32, #tpu.memory_space<hbm>>
      tpu.enqueue_dma source(%arg7 : memref<32768xf32, #tpu.memory_space<vmem>>) target(%dma_start3A_113 : memref<32768xf32, #tpu.memory_space<hbm>>) target_semaphore(%run_scoped3A : memref<!tpu.dma_semaphore, #tpu.memory_space<semaphore_mem>>)
      %dma_wait3A = arith.constant 0 : i32
      %dma_wait3A_114 = tpu.memref_slice %arg12[%add3A_51, %dma_wait3A] : memref<32x32768xf32, #tpu.memory_space<hbm>> -> memref<1x32768xf32, #tpu.memory_space<hbm>>
      %dma_wait3A_115 = tpu.memref_squeeze %dma_wait3A_114 : memref<1x32768xf32, #tpu.memory_space<hbm>> -> memref<32768xf32, #tpu.memory_space<hbm>>
      %dma_wait3A_116 = arith.constant 0 : i32
      %dma_wait3A_117 = tpu.memref_slice %arg12[%add3A_51, %dma_wait3A_116] : memref<32x32768xf32, #tpu.memory_space<hbm>> -> memref<1x32768xf32, #tpu.memory_space<hbm>>
      %dma_wait3A_118 = tpu.memref_squeeze %dma_wait3A_117 : memref<1x32768xf32, #tpu.memory_space<hbm>> -> memref<32768xf32, #tpu.memory_space<hbm>>
      tpu.wait_dma2 semaphore(%run_scoped3A : memref<!tpu.dma_semaphore, #tpu.memory_space<semaphore_mem>>) src(%arg7 : memref<32768xf32, #tpu.memory_space<vmem>>) dst(%dma_wait3A_118 : memref<32768xf32, #tpu.memory_space<hbm>>)
      tpu.yield
    }) : () -> ()
    "tpu.region"() ({
      %run_scoped3A = tpu.sem_alloc : memref<!tpu.dma_semaphore, #tpu.memory_space<semaphore_mem>>
      %dma_start3A = arith.constant 0 : i32
      %dma_start3A_109 = tpu.memref_slice %arg13[%add3A_51, %dma_start3A] : memref<32x32768xi32, #tpu.memory_space<hbm>> -> memref<1x32768xi32, #tpu.memory_space<hbm>>
      %dma_start3A_110 = tpu.memref_squeeze %dma_start3A_109 : memref<1x32768xi32, #tpu.memory_space<hbm>> -> memref<32768xi32, #tpu.memory_space<hbm>>
      %dma_start3A_111 = arith.constant 0 : i32
      %dma_start3A_112 = tpu.memref_slice %arg13[%add3A_51, %dma_start3A_111] : memref<32x32768xi32, #tpu.memory_space<hbm>> -> memref<1x32768xi32, #tpu.memory_space<hbm>>
      %dma_start3A_113 = tpu.memref_squeeze %dma_start3A_112 : memref<1x32768xi32, #tpu.memory_space<hbm>> -> memref<32768xi32, #tpu.memory_space<hbm>>
      tpu.enqueue_dma source(%arg8 : memref<32768xi32, #tpu.memory_space<vmem>>) target(%dma_start3A_113 : memref<32768xi32, #tpu.memory_space<hbm>>) target_semaphore(%run_scoped3A : memref<!tpu.dma_semaphore, #tpu.memory_space<semaphore_mem>>)
      %dma_wait3A = arith.constant 0 : i32
      %dma_wait3A_114 = tpu.memref_slice %arg13[%add3A_51, %dma_wait3A] : memref<32x32768xi32, #tpu.memory_space<hbm>> -> memref<1x32768xi32, #tpu.memory_space<hbm>>
      %dma_wait3A_115 = tpu.memref_squeeze %dma_wait3A_114 : memref<1x32768xi32, #tpu.memory_space<hbm>> -> memref<32768xi32, #tpu.memory_space<hbm>>
      %dma_wait3A_116 = arith.constant 0 : i32
      %dma_wait3A_117 = tpu.memref_slice %arg13[%add3A_51, %dma_wait3A_116] : memref<32x32768xi32, #tpu.memory_space<hbm>> -> memref<1x32768xi32, #tpu.memory_space<hbm>>
      %dma_wait3A_118 = tpu.memref_squeeze %dma_wait3A_117 : memref<1x32768xi32, #tpu.memory_space<hbm>> -> memref<32768xi32, #tpu.memory_space<hbm>>
      tpu.wait_dma2 semaphore(%run_scoped3A : memref<!tpu.dma_semaphore, #tpu.memory_space<semaphore_mem>>) src(%arg8 : memref<32768xi32, #tpu.memory_space<vmem>>) dst(%dma_wait3A_118 : memref<32768xi32, #tpu.memory_space<hbm>>)
      tpu.yield
    }) : () -> ()
    %barrier3A = arith.constant 0 : index
    tpu.barrier barrier_id(%barrier3A)
    %jit3A_52 = arith.constant 4 : i32
    %div3A_53 = arith.divsi %arg1, %jit3A_52 : i32
    %sign3A_54 = arith.constant 0 : i32
    %sign3A_55 = arith.cmpi sgt, %arg1, %sign3A_54 : i32
    %sign3A_56 = arith.extui %sign3A_55 : i1 to i32
    %sign3A_57 = arith.constant 0 : i32
    %sign3A_58 = arith.cmpi slt, %arg1, %sign3A_57 : i32
    %sign3A_59 = arith.extui %sign3A_58 : i1 to i32
    %sign3A_60 = arith.subi %sign3A_56, %sign3A_59 : i32
    %sign3A_61 = arith.constant 0 : i32
    %sign3A_62 = arith.cmpi sgt, %jit3A_52, %sign3A_61 : i32
    %sign3A_63 = arith.extui %sign3A_62 : i1 to i32
    %sign3A_64 = arith.constant 0 : i32
    %sign3A_65 = arith.cmpi slt, %jit3A_52, %sign3A_64 : i32
    %sign3A_66 = arith.extui %sign3A_65 : i1 to i32
    %sign3A_67 = arith.subi %sign3A_63, %sign3A_66 : i32
    %ne3A_68 = arith.cmpi ne, %sign3A_60, %sign3A_67 : i32
    %rem3A_69 = arith.remsi %arg1, %jit3A_52 : i32
    %ne3A_70 = arith.constant 0 : i32
    %ne3A_71 = arith.cmpi ne, %rem3A_69, %ne3A_70 : i32
    %and3A_72 = arith.andi %ne3A_68, %ne3A_71 : i1
    %sub3A_73 = arith.constant 1 : i32
    %sub3A_74 = arith.subi %div3A_53, %sub3A_73 : i32
    %select_n3A_75 = arith.select %and3A_72, %sub3A_74, %div3A_53 : i32
    %jit3A_76 = arith.constant 4 : i32
    %eq3A_77 = arith.constant 0 : i32
    %eq3A_78 = arith.cmpi eq, %jit3A_76, %eq3A_77 : i32
    %jit3A_79 = arith.constant 1 : i32
    %select_n3A_80 = arith.select %eq3A_78, %jit3A_79, %jit3A_76 : i32
    %rem3A_81 = arith.remsi %arg1, %select_n3A_80 : i32
    %ne3A_82 = arith.constant 0 : i32
    %ne3A_83 = arith.cmpi ne, %rem3A_81, %ne3A_82 : i32
    %lt3A_84 = arith.constant 0 : i32
    %lt3A_85 = arith.cmpi slt, %rem3A_81, %lt3A_84 : i32
    %lt3A_86 = arith.constant 0 : i32
    %lt3A_87 = arith.cmpi slt, %select_n3A_80, %lt3A_86 : i32
    %ne3A_88 = arith.xori %lt3A_85, %lt3A_87 : i1
    %and3A_89 = arith.andi %ne3A_88, %ne3A_83 : i1
    %add3A_90 = arith.addi %rem3A_81, %select_n3A_80 : i32
    %select_n3A_91 = arith.select %and3A_89, %add3A_90, %rem3A_81 : i32
    %mul3A_92 = arith.constant 8192 : i32
    %mul3A_93 = arith.muli %select_n3A_91, %mul3A_92 : i32
    %scan3A_94 = arith.constant 0 : i32
    %scan3A_95 = arith.constant 0 : i32
    %scan3A_96 = arith.constant 4 : i32
    %scan3A_97 = arith.addi %scan3A_95, %scan3A_96 : i32
    %scan3A_98 = arith.constant 1 : i32
    %scan3A_99 = scf.for %scan3A_109 = %scan3A_95 to %scan3A_97 step %scan3A_98 iter_args(%scan3A_110 = %scan3A_94) -> (i32)  : i32 {
      %mul3A_111 = arith.constant 16 : i32
      %mul3A_112 = arith.muli %arg0, %mul3A_111 : i32
      %mul3A_113 = arith.constant 4 : i32
      %mul3A_114 = arith.muli %select_n3A_75, %mul3A_113 : i32
      %add3A_115 = arith.addi %mul3A_112, %mul3A_114 : i32
      %add3A_116 = arith.addi %add3A_115, %scan3A_109 : i32
      "tpu.region"() ({
        %run_scoped3A = tpu.sem_alloc : memref<!tpu.dma_semaphore, #tpu.memory_space<semaphore_mem>>
        %dma_start3A = arith.constant 0 : i32
        %dma_start3A_126 = tpu.memref_slice %arg6[%dma_start3A] : memref<16000xf32, #tpu.memory_space<vmem>> -> memref<8192xf32, #tpu.memory_space<vmem>>
        %dma_start3A_127 = tpu.memref_slice %arg12[%add3A_116, %mul3A_93] : memref<32x32768xf32, #tpu.memory_space<hbm>> -> memref<1x8192xf32, #tpu.memory_space<hbm>>
        %dma_start3A_128 = tpu.memref_squeeze %dma_start3A_127 : memref<1x8192xf32, #tpu.memory_space<hbm>> -> memref<8192xf32, #tpu.memory_space<hbm>>
        %dma_start3A_129 = arith.constant 0 : i32
        %dma_start3A_130 = tpu.memref_slice %arg6[%dma_start3A_129] : memref<16000xf32, #tpu.memory_space<vmem>> -> memref<8192xf32, #tpu.memory_space<vmem>>
        %dma_start3A_131 = tpu.memref_slice %arg12[%add3A_116, %mul3A_93] : memref<32x32768xf32, #tpu.memory_space<hbm>> -> memref<1x8192xf32, #tpu.memory_space<hbm>>
        %dma_start3A_132 = tpu.memref_squeeze %dma_start3A_131 : memref<1x8192xf32, #tpu.memory_space<hbm>> -> memref<8192xf32, #tpu.memory_space<hbm>>
        tpu.enqueue_dma source(%dma_start3A_132 : memref<8192xf32, #tpu.memory_space<hbm>>) target(%dma_start3A_130 : memref<8192xf32, #tpu.memory_space<vmem>>) target_semaphore(%run_scoped3A : memref<!tpu.dma_semaphore, #tpu.memory_space<semaphore_mem>>)
        %dma_wait3A = arith.constant 0 : i32
        %dma_wait3A_133 = tpu.memref_slice %arg6[%dma_wait3A] : memref<16000xf32, #tpu.memory_space<vmem>> -> memref<8192xf32, #tpu.memory_space<vmem>>
        %dma_wait3A_134 = tpu.memref_slice %arg12[%add3A_116, %mul3A_93] : memref<32x32768xf32, #tpu.memory_space<hbm>> -> memref<1x8192xf32, #tpu.memory_space<hbm>>
        %dma_wait3A_135 = tpu.memref_squeeze %dma_wait3A_134 : memref<1x8192xf32, #tpu.memory_space<hbm>> -> memref<8192xf32, #tpu.memory_space<hbm>>
        %dma_wait3A_136 = arith.constant 0 : i32
        %dma_wait3A_137 = tpu.memref_slice %arg6[%dma_wait3A_136] : memref<16000xf32, #tpu.memory_space<vmem>> -> memref<8192xf32, #tpu.memory_space<vmem>>
        %dma_wait3A_138 = tpu.memref_slice %arg12[%add3A_116, %mul3A_93] : memref<32x32768xf32, #tpu.memory_space<hbm>> -> memref<1x8192xf32, #tpu.memory_space<hbm>>
        %dma_wait3A_139 = tpu.memref_squeeze %dma_wait3A_138 : memref<1x8192xf32, #tpu.memory_space<hbm>> -> memref<8192xf32, #tpu.memory_space<hbm>>
        tpu.wait_dma2 semaphore(%run_scoped3A : memref<!tpu.dma_semaphore, #tpu.memory_space<semaphore_mem>>) src(%dma_wait3A_139 : memref<8192xf32, #tpu.memory_space<hbm>>) dst(%dma_wait3A_137 : memref<8192xf32, #tpu.memory_space<vmem>>)
        tpu.yield
      }) : () -> ()
      "tpu.region"() ({
        %run_scoped3A = tpu.sem_alloc : memref<!tpu.dma_semaphore, #tpu.memory_space<semaphore_mem>>
        %dma_start3A = arith.constant 0 : i32
        %dma_start3A_126 = tpu.memref_slice %arg5[%dma_start3A] : memref<16000xi32, #tpu.memory_space<vmem>> -> memref<8192xi32, #tpu.memory_space<vmem>>
        %dma_start3A_127 = tpu.memref_slice %arg13[%add3A_116, %mul3A_93] : memref<32x32768xi32, #tpu.memory_space<hbm>> -> memref<1x8192xi32, #tpu.memory_space<hbm>>
        %dma_start3A_128 = tpu.memref_squeeze %dma_start3A_127 : memref<1x8192xi32, #tpu.memory_space<hbm>> -> memref<8192xi32, #tpu.memory_space<hbm>>
        %dma_start3A_129 = arith.constant 0 : i32
        %dma_start3A_130 = tpu.memref_slice %arg5[%dma_start3A_129] : memref<16000xi32, #tpu.memory_space<vmem>> -> memref<8192xi32, #tpu.memory_space<vmem>>
        %dma_start3A_131 = tpu.memref_slice %arg13[%add3A_116, %mul3A_93] : memref<32x32768xi32, #tpu.memory_space<hbm>> -> memref<1x8192xi32, #tpu.memory_space<hbm>>
        %dma_start3A_132 = tpu.memref_squeeze %dma_start3A_131 : memref<1x8192xi32, #tpu.memory_space<hbm>> -> memref<8192xi32, #tpu.memory_space<hbm>>
        tpu.enqueue_dma source(%dma_start3A_132 : memref<8192xi32, #tpu.memory_space<hbm>>) target(%dma_start3A_130 : memref<8192xi32, #tpu.memory_space<vmem>>) target_semaphore(%run_scoped3A : memref<!tpu.dma_semaphore, #tpu.memory_space<semaphore_mem>>)
        %dma_wait3A = arith.constant 0 : i32
        %dma_wait3A_133 = tpu.memref_slice %arg5[%dma_wait3A] : memref<16000xi32, #tpu.memory_space<vmem>> -> memref<8192xi32, #tpu.memory_space<vmem>>
        %dma_wait3A_134 = tpu.memref_slice %arg13[%add3A_116, %mul3A_93] : memref<32x32768xi32, #tpu.memory_space<hbm>> -> memref<1x8192xi32, #tpu.memory_space<hbm>>
        %dma_wait3A_135 = tpu.memref_squeeze %dma_wait3A_134 : memref<1x8192xi32, #tpu.memory_space<hbm>> -> memref<8192xi32, #tpu.memory_space<hbm>>
        %dma_wait3A_136 = arith.constant 0 : i32
        %dma_wait3A_137 = tpu.memref_slice %arg5[%dma_wait3A_136] : memref<16000xi32, #tpu.memory_space<vmem>> -> memref<8192xi32, #tpu.memory_space<vmem>>
        %dma_wait3A_138 = tpu.memref_slice %arg13[%add3A_116, %mul3A_93] : memref<32x32768xi32, #tpu.memory_space<hbm>> -> memref<1x8192xi32, #tpu.memory_space<hbm>>
        %dma_wait3A_139 = tpu.memref_squeeze %dma_wait3A_138 : memref<1x8192xi32, #tpu.memory_space<hbm>> -> memref<8192xi32, #tpu.memory_space<hbm>>
        tpu.wait_dma2 semaphore(%run_scoped3A : memref<!tpu.dma_semaphore, #tpu.memory_space<semaphore_mem>>) src(%dma_wait3A_139 : memref<8192xi32, #tpu.memory_space<hbm>>) dst(%dma_wait3A_137 : memref<8192xi32, #tpu.memory_space<vmem>>)
        tpu.yield
      }) : () -> ()
      %eq3A_117 = arith.constant 0 : i32
      %eq3A_118 = arith.cmpi eq, %scan3A_109, %eq3A_117 : i32
      %convert_element_type3A = arith.extui %eq3A_118 : i1 to i32
      %cond3A = arith.constant 0 : i32
      %cond3A_119 = arith.cmpi ne, %convert_element_type3A, %cond3A : i32
      scf.if %cond3A_119 {
        %scan3A_126 = arith.constant 0 : i32
        %scan3A_127 = arith.constant 0 : i32
        %scan3A_128 = arith.constant 512 : i32
        %scan3A_129 = arith.addi %scan3A_127, %scan3A_128 : i32
        %scan3A_130 = arith.constant 1 : i32
        %scan3A_131 = scf.for %scan3A_133 = %scan3A_127 to %scan3A_129 step %scan3A_130 iter_args(%scan3A_134 = %scan3A_126) -> (i32)  : i32 {
          %mul3A_135 = arith.constant 16 : i32
          %mul3A_136 = arith.muli %scan3A_133, %mul3A_135 : i32
          %get3A = arith.index_cast %mul3A_136 : i32 to index
          %get3A_137 = tpu.vector_load %arg6[%get3A] {strides = array<i32>} : memref<16000xf32, #tpu.memory_space<vmem>>, vector<16xf32>,
          %swap3A = arith.index_cast %mul3A_136 : i32 to index
          %swap3A_138 = tpu.vector_load %arg9[%swap3A] {strides = array<i32>} : memref<8192xf32, #tpu.memory_space<vmem>>, vector<16xf32>,
          tpu.vector_store %arg9[%swap3A], %get3A_137 {strides = array<i32>} : memref<8192xf32, #tpu.memory_space<vmem>>, vector<16xf32>,
          %get3A_139 = arith.index_cast %mul3A_136 : i32 to index
          %get3A_140 = tpu.vector_load %arg5[%get3A_139] {strides = array<i32>} : memref<16000xi32, #tpu.memory_space<vmem>>, vector<16xi32>,
          %swap3A_141 = arith.index_cast %mul3A_136 : i32 to index
          %swap3A_142 = tpu.vector_load %arg10[%swap3A_141] {strides = array<i32>} : memref<8192xi32, #tpu.memory_space<vmem>>, vector<16xi32>,
          tpu.vector_store %arg10[%swap3A_141], %get3A_140 {strides = array<i32>} : memref<8192xi32, #tpu.memory_space<vmem>>, vector<16xi32>,
          %scan3A_143 = arith.constant 0 : i32
          scf.yield %scan3A_143 : i32
        }
        %scan3A_132 = arith.constant 512 : i32
      } else {
      }
      %ne3A_120 = arith.constant 0 : i32
      %ne3A_121 = arith.cmpi ne, %scan3A_109, %ne3A_120 : i32
      %convert_element_type3A_122 = arith.extui %ne3A_121 : i1 to i32
      %cond3A_123 = arith.constant 0 : i32
      %cond3A_124 = arith.cmpi ne, %convert_element_type3A_122, %cond3A_123 : i32
      scf.if %cond3A_124 {
        %scan3A_126 = arith.constant 0 : i32
        %scan3A_127 = arith.constant 0 : i32
        %scan3A_128 = arith.constant 512 : i32
        %scan3A_129 = arith.addi %scan3A_127, %scan3A_128 : i32
        %scan3A_130 = arith.constant 1 : i32
        %scan3A_131 = scf.for %scan3A_133 = %scan3A_127 to %scan3A_129 step %scan3A_130 iter_args(%scan3A_134 = %scan3A_126) -> (i32)  : i32 {
          %mul3A_135 = arith.constant 16 : i32
          %mul3A_136 = arith.muli %scan3A_133, %mul3A_135 : i32
          %get3A = arith.index_cast %mul3A_136 : i32 to index
          %get3A_137 = tpu.vector_load %arg6[%get3A] {strides = array<i32>} : memref<16000xf32, #tpu.memory_space<vmem>>, vector<16xf32>,
          %get3A_138 = arith.index_cast %mul3A_136 : i32 to index
          %get3A_139 = tpu.vector_load %arg5[%get3A_138] {strides = array<i32>} : memref<16000xi32, #tpu.memory_space<vmem>>, vector<16xi32>,
          %get3A_140 = arith.index_cast %mul3A_136 : i32 to index
          %get3A_141 = tpu.vector_load %arg9[%get3A_140] {strides = array<i32>} : memref<8192xf32, #tpu.memory_space<vmem>>, vector<16xf32>,
          %get3A_142 = arith.index_cast %mul3A_136 : i32 to index
          %get3A_143 = tpu.vector_load %arg10[%get3A_142] {strides = array<i32>} : memref<8192xi32, #tpu.memory_space<vmem>>, vector<16xi32>,
          %gt3A = arith.cmpf ogt, %get3A_137, %get3A_141 : vector<16xf32>
          %eq3A_144 = arith.cmpf oeq, %get3A_137, %get3A_141 : vector<16xf32>
          %lt3A_145 = arith.cmpi slt, %get3A_139, %get3A_143 : vector<16xi32>
          %and3A_146 = arith.andi %eq3A_144, %lt3A_145 : vector<16xi1>
          %or3A = arith.ori %gt3A, %and3A_146 : vector<16xi1>
          %select_n3A_147 = arith.select %or3A, %get3A_137, %get3A_141 : vector<16xi1>, vector<16xf32>
          %swap3A = arith.index_cast %mul3A_136 : i32 to index
          %swap3A_148 = tpu.vector_load %arg9[%swap3A] {strides = array<i32>} : memref<8192xf32, #tpu.memory_space<vmem>>, vector<16xf32>,
          tpu.vector_store %arg9[%swap3A], %select_n3A_147 {strides = array<i32>} : memref<8192xf32, #tpu.memory_space<vmem>>, vector<16xf32>,
          %select_n3A_149 = arith.select %or3A, %get3A_139, %get3A_143 : vector<16xi1>, vector<16xi32>
          %swap3A_150 = arith.index_cast %mul3A_136 : i32 to index
          %swap3A_151 = tpu.vector_load %arg10[%swap3A_150] {strides = array<i32>} : memref<8192xi32, #tpu.memory_space<vmem>>, vector<16xi32>,
          tpu.vector_store %arg10[%swap3A_150], %select_n3A_149 {strides = array<i32>} : memref<8192xi32, #tpu.memory_space<vmem>>, vector<16xi32>,
          %scan3A_152 = arith.constant 0 : i32
          scf.yield %scan3A_152 : i32
        }
        %scan3A_132 = arith.constant 512 : i32
      } else {
      }
      %scan3A_125 = arith.constant 0 : i32
      scf.yield %scan3A_125 : i32
    }
    %scan3A_100 = arith.constant 4 : i32
    %scan3A_101 = arith.constant 0 : i32
    %scan3A_102 = arith.constant 0 : i32
    %scan3A_103 = arith.constant 512 : i32
    %scan3A_104 = arith.addi %scan3A_102, %scan3A_103 : i32
    %scan3A_105 = arith.constant 1 : i32
    %scan3A_106 = scf.for %scan3A_109 = %scan3A_102 to %scan3A_104 step %scan3A_105 iter_args(%scan3A_110 = %scan3A_101) -> (i32)  : i32 {
      %mul3A_111 = arith.constant 16 : i32
      %mul3A_112 = arith.muli %scan3A_109, %mul3A_111 : i32
      %get3A = arith.index_cast %mul3A_112 : i32 to index
      %get3A_113 = tpu.vector_load %arg9[%get3A] {strides = array<i32>} : memref<8192xf32, #tpu.memory_space<vmem>>, vector<16xf32>,
      %get3A_114 = arith.index_cast %mul3A_112 : i32 to index
      %get3A_115 = tpu.vector_load %arg10[%get3A_114] {strides = array<i32>} : memref<8192xi32, #tpu.memory_space<vmem>>, vector<16xi32>,
      %ge3A = arith.constant 5.000000e-01 : f32
      %ge3A_116 = vector.broadcast %ge3A : f32 to vector<16xf32>
      %ge3A_117 = arith.cmpf oge, %get3A_113, %ge3A_116 : vector<16xf32>
      %shift_right_arithmetic3A = arith.constant 10 : i32
      %shift_right_arithmetic3A_118 = vector.broadcast %shift_right_arithmetic3A : i32 to vector<16xi32>
      %shift_right_arithmetic3A_119 = arith.shrsi %get3A_115, %shift_right_arithmetic3A_118 : vector<16xi32>
      %add3A_120 = arith.constant 1 : i32
      %add3A_121 = vector.broadcast %add3A_120 : i32 to vector<16xi32>
      %add3A_122 = arith.addi %shift_right_arithmetic3A_119, %add3A_121 : vector<16xi32>
      %convert_element_type3A = arith.sitofp %add3A_122 : vector<16xi32> to vector<16xf32>
      %jit3A_123 = arith.constant 0.000000e+00 : f32
      %broadcast_in_dim3A_124 = vector.broadcast %jit3A_123 : f32 to vector<16xf32>
      %select_n3A_125 = arith.select %ge3A_117, %convert_element_type3A, %broadcast_in_dim3A_124 : vector<16xi1>, vector<16xf32>
      %swap3A = arith.index_cast %mul3A_112 : i32 to index
      %swap3A_126 = tpu.vector_load %arg11[%swap3A] {strides = array<i32>} : memref<8192xf32, #tpu.memory_space<vmem>>, vector<16xf32>,
      tpu.vector_store %arg11[%swap3A], %select_n3A_125 {strides = array<i32>} : memref<8192xf32, #tpu.memory_space<vmem>>, vector<16xf32>,
      %scan3A_127 = arith.constant 0 : i32
      scf.yield %scan3A_127 : i32
    }
    %scan3A_107 = arith.constant 512 : i32
    %add3A_108 = arith.addi %mul3A_32, %mul3A_93 : i32
    "tpu.region"() ({
      %run_scoped3A = tpu.sem_alloc : memref<!tpu.dma_semaphore, #tpu.memory_space<semaphore_mem>>
      %dma_start3A = tpu.memref_slice %arg4[%add3A_108] : memref<262144xf32, #tpu.memory_space<hbm>> -> memref<8192xf32, #tpu.memory_space<hbm>>
      %dma_start3A_109 = tpu.memref_slice %arg4[%add3A_108] : memref<262144xf32, #tpu.memory_space<hbm>> -> memref<8192xf32, #tpu.memory_space<hbm>>
      tpu.enqueue_dma source(%arg11 : memref<8192xf32, #tpu.memory_space<vmem>>) target(%dma_start3A_109 : memref<8192xf32, #tpu.memory_space<hbm>>) target_semaphore(%run_scoped3A : memref<!tpu.dma_semaphore, #tpu.memory_space<semaphore_mem>>)
      %dma_wait3A = tpu.memref_slice %arg4[%add3A_108] : memref<262144xf32, #tpu.memory_space<hbm>> -> memref<8192xf32, #tpu.memory_space<hbm>>
      %dma_wait3A_110 = tpu.memref_slice %arg4[%add3A_108] : memref<262144xf32, #tpu.memory_space<hbm>> -> memref<8192xf32, #tpu.memory_space<hbm>>
      tpu.wait_dma2 semaphore(%run_scoped3A : memref<!tpu.dma_semaphore, #tpu.memory_space<semaphore_mem>>) src(%arg11 : memref<8192xf32, #tpu.memory_space<vmem>>) dst(%dma_wait3A_110 : memref<8192xf32, #tpu.memory_space<hbm>>)
      tpu.yield
    }) : () -> ()
    return
  }
}

module attributes {stable_mosaic.version = 14 : i64} {
  func.func @_key_body(%arg0: i32, %arg1: memref<40x1024xi32, #tpu.memory_space<vmem>>, %arg2: memref<40x1024xi32, #tpu.memory_space<vmem>>, %arg3: memref<40x1024xf32, #tpu.memory_space<vmem>>, %arg4: memref<40x1024xi32, #tpu.memory_space<vmem>>) attributes {dimension_semantics = [#tpu.dimension_semantics<arbitrary>], iteration_bounds = array<i64: 50>, scalar_prefetch = 0 : i64, scratch_operands = 0 : i64, tpu.core_type = #tpu.core_type<tc>, window_params = [{transform_indices = @transform_0, window_bounds = array<i64: 40, 1024>}, {transform_indices = @transform_1, window_bounds = array<i64: 40, 1024>}, {transform_indices = @transform_2, window_bounds = array<i64: 40, 1024>}, {transform_indices = @transform_3, window_bounds = array<i64: 40, 1024>}]} {
    %get3A = arith.constant 0 : index
    %get3A_0 = arith.constant 0 : index
    %get3A_1 = vector.load %arg3[%get3A, %get3A_0] : memref<40x1024xf32, #tpu.memory_space<vmem>>, vector<40x1024xf32>
    %ge3A = arith.constant 5.000000e-01 : f32
    %ge3A_2 = vector.broadcast %ge3A : f32 to vector<40x1024xf32>
    %ge3A_3 = arith.cmpf oge, %get3A_1, %ge3A_2 : vector<40x1024xf32>
    %get3A_4 = arith.constant 0 : index
    %get3A_5 = arith.constant 0 : index
    %get3A_6 = vector.load %arg1[%get3A_4, %get3A_5] : memref<40x1024xi32, #tpu.memory_space<vmem>>, vector<40x1024xi32>
    %mul3A = arith.constant 512 : i32
    %mul3A_7 = vector.broadcast %mul3A : i32 to vector<40x1024xi32>
    %mul3A_8 = arith.muli %get3A_6, %mul3A_7 : vector<40x1024xi32>
    %get3A_9 = arith.constant 0 : index
    %get3A_10 = arith.constant 0 : index
    %get3A_11 = vector.load %arg2[%get3A_9, %get3A_10] : memref<40x1024xi32, #tpu.memory_space<vmem>>, vector<40x1024xi32>
    %add3A = arith.addi %mul3A_8, %get3A_11 : vector<40x1024xi32>
    %jit3A = arith.constant -1 : i32
    %broadcast_in_dim3A = vector.broadcast %jit3A : i32 to vector<40x1024xi32>
    %select_n3A = arith.select %ge3A_3, %add3A, %broadcast_in_dim3A : vector<40x1024xi1>, vector<40x1024xi32>
    %swap3A = arith.constant 0 : index
    %swap3A_12 = arith.constant 0 : index
    %swap3A_13 = vector.load %arg4[%swap3A, %swap3A_12] : memref<40x1024xi32, #tpu.memory_space<vmem>>, vector<40x1024xi32>
    tpu.vector_store %arg4[%swap3A, %swap3A_12], %select_n3A {strides = array<i32>} : memref<40x1024xi32, #tpu.memory_space<vmem>>, vector<40x1024xi32>,
    return
  }
  func.func @transform_0(%arg0: i32) -> (i32, i32) {
    %c0_i32 = arith.constant 0 : i32
    %c0_i32_0 = arith.constant 0 : i32
    return %arg0, %c0_i32 : i32, i32
  }
  func.func @transform_1(%arg0: i32) -> (i32, i32) {
    %c0_i32 = arith.constant 0 : i32
    %c0_i32_0 = arith.constant 0 : i32
    return %arg0, %c0_i32 : i32, i32
  }
  func.func @transform_2(%arg0: i32) -> (i32, i32) {
    %c0_i32 = arith.constant 0 : i32
    %c0_i32_0 = arith.constant 0 : i32
    return %arg0, %c0_i32 : i32, i32
  }
  func.func @transform_3(%arg0: i32) -> (i32, i32) {
    %c0_i32 = arith.constant 0 : i32
    %c0_i32_0 = arith.constant 0 : i32
    return %arg0, %c0_i32 : i32, i32
  }
}

</mosaic_0001>

<sc_bundles>
// kernel: kernel.4.cloned.1.call-start
scs
__scs_entry_jumppad:
0x0: {  	(pc) =	sbr.rel $0x88, $3  }
0x1: {  	(tag) =	ssettag $0x0;
	lr =	simm.s32 $0x1  }
0x2: {  	[smem:$0x3F9F] =	sst lr;
	_ =	strace $0xD0000000  }
0x3: {  	_ = 	snop  }
0x4: {  	_ = 	snop  }
0x5: {  	_ = 	snop  }
0x6: {  	_ = 	snop  }
0x7: {  	_ = 	snop  }
__scs_overlays_trampoline_lowered:
0x8: {  	[smem:$0x3FAE] =	sst s0  }
0x9: {  	[smem:$0x3FAF] =	sst s1  }
0xa: {  	[smem:$0x3FB0] =	sst s2  }
0xb: {  	[smem:$0x3FB1] =	sst s3  }
0xc: {  	[smem:$0x3FB2] =	sst s4  }
0xd: {  	[smem:$0x3FB3] =	sst s5  }
0xe: {  	[smem:$0x3FB4] =	sst s6  }
0xf: {  	[smem:$0x3FB5] =	sst s7  }
0x10: {  	[smem:$0x3FB6] =	sst s8  }
0x11: {  	[smem:$0x3FB7] =	sst s9;
	s0 =	simm.s32 @!p0 $0x0  }
0x12: {  	s1 =	sld [smem:$0x3F9D];
	s0 =	simm.s32 @p0 $0x1  }
0x13: {  	[smem:$0x3FB8] =	sst s0;
	s0 =	simm.s32 @!p1 $0x0  }
0x14: {  	s2 =	sld [smem:$0x3F9C];
	s0 =	simm.s32 @p1 $0x1  }
0x15: {  	[smem:$0x3FB9] =	sst s0;
	s0 =	simm.s32 @!p2 $0x0  }
0x16: {  	s3 =	sld [smem:$0x3FDB];
	s0 =	simm.s32 @p2 $0x1  }
0x17: {  	s4 =	simm.s32 $0x1BF5;
	[smem:$0x3FBB] =	sst s0  }
0x18: {  	s0 =	sld [smem:$0x3F9E];
	_ =	swait.ge [sflag:s4], $0x0  }
0x19: {  	s7 =	sld [smem:$0x3F9F]  }
0x1a: {  	s8 =	sadd.s32 $0xFFFFE003, lr  }
0x1b: {  	s9 =	sadd.s32 $0xFFFFFEF7, lr;
	s5 =	simm.s32 $0xFFFFFFFF;
	p2 =	slt.u32 s8, $0xFFFFF086  }
0x1c: {  	p1 =	slt.u32 s9, $0xF7A;
	s5 =	simm.s32 @!p2 $0x0  }
0x1d: {  	s5 =	simm.s32 @p1 $0x1;
	p0 =	seq.s32 s7, s2  }
0x1e: {  	s7 =	smul.u32 @!p0 $0xF7A, s2;
	p2 =	seq.s32 @!p0 s5, $0x0  }
0x1f: {  	s9 =	smul.u32 $0xF7A, s1;
	s8 =	simm.s32 @!p0 $0x1BF5;
	p2 =	por !p2, p0  }
0x20: {  	[sflag:s8] =	ssyncset.s32 @!p0 $0xFFFFF086;
	s6 =	sadd.s32 @!p0 s3, s7;
	s7 =	simm.s32 @!p0 $0x108  }
0x21: {  	s3 =	sadd.s32 s3, s9;
	s6 =	sadd.s32 @!p0 $0x88, s6;
	s7 =	simm.s32 @p2 $0x1082  }
0x22: {  	[simem:s7], [sflag:s8] =	dma.local @!p0 [hbm:s6], $0xF7A  }
0x23: {  	s9 =	sor.u32 $0xD0000000, s2;
	s6 =	simm.s32 $0x108;
	_ =	swait.ge @!p0 [sflag:s8], $0x0  }
0x24: {  	s3 =	sadd.s32 $0x88, s3;
	s6 =	simm.s32 @!p1 $0x1082;
	[sflag:s4] =	ssyncset.s32 $0xFFFFF086  }
0x25: {  	[simem:s6], [sflag:s4] =	dma.local [hbm:s3], $0xF7A  }
0x26: {  	[smem:$0x3F9F] =	sst s1;
	(tag) =	ssettag s2;
	_ =	strace s9  }
0x27: {  	s1 =	sld [smem:$0x3FAF]  }
0x28: {  	s2 =	sld [smem:$0x3FB0]  }
0x29: {  	s4 =	sld [smem:$0x3FB2]  }
0x2a: {  	p0 =	seq.s32 s5, $0x0;
	s5 =	sld [smem:$0x3FB3]  }
0x2b: {  	s6 =	sld [smem:$0x3FB4]  }
0x2c: {  	s7 =	sld [smem:$0x3FB5]  }
0x2d: {  	s3 =	simm.s32 $0x108;
	s8 =	sld [smem:$0x3FB6]  }
0x2e: {  	s3 =	simm.s32 @!p0 $0x1082;
	s9 =	sld [smem:$0x3FB7]  }
0x2f: {  	lr =	sadd.s32 s0, s3;
	s0 =	sld [smem:$0x3FAE]  }
0x30: {  	s3 =	sld [smem:$0x3FB1]  }
0x31: {  	[smem:$0x3FBA] =	sst s10  }
0x32: {  	s10 =	sld [smem:$0x3FB8];
	_ =	sdelay $0x3  }
0x33: {  	p0 =	seq.s32 s10, $0x1;
	s10 =	sld [smem:$0x3FBA];
	_ =	sdelay $0x3  }
0x34: {  	[smem:$0x3FBA] =	sst s10  }
0x35: {  	s10 =	sld [smem:$0x3FB9];
	_ =	sdelay $0x3  }
0x36: {  	p1 =	seq.s32 s10, $0x1;
	s10 =	sld [smem:$0x3FBA];
	_ =	sdelay $0x3  }
0x37: {  	[smem:$0x3FBA] =	sst s10  }
0x38: {  	s10 =	sld [smem:$0x3FBB]  }
0x39: {  	_ = 	snop;
	(pc) =	sbr.ind lr, $3  }
0x3a: {  	_ = 	snop  }
0x3b: {  	_ = 	snop  }
0x3c: {  	p2 =	seq.s32 s10, $0x1;
	s10 =	sld [smem:$0x3FBA]  }
0x3d: {  	_ =	shalt  }
0x3e: {  	_ =	shalt  }
0x3f: {  	_ =	shalt  }
0x40: {  	_ =	shalt  }
0x41: {  	_ =	shalt  }
0x42: {  	_ =	shalt  }
0x43: {  	_ =	shalt  }
0x44: {  	_ =	shalt  }
0x45: {  	_ =	shalt  }
0x46: {  	_ =	shalt  }
0x47: {  	_ =	shalt  }
0x48: {  	_ =	shalt  }
0x49: {  	_ =	shalt  }
0x4a: {  	_ =	shalt  }
0x4b: {  	_ =	shalt  }
0x4c: {  	_ =	shalt  }
0x4d: {  	_ =	shalt  }
0x4e: {  	_ =	shalt  }
0x4f: {  	_ =	shalt  }
0x50: {  	_ =	shalt  }
0x51: {  	_ =	shalt  }
0x52: {  	_ =	shalt  }
0x53: {  	_ =	shalt  }
0x54: {  	_ =	shalt  }
0x55: {  	_ =	shalt  }
0x56: {  	_ =	shalt  }
0x57: {  	_ =	shalt  }
0x58: {  	_ =	shalt  }
0x59: {  	_ =	shalt  }
0x5a: {  	_ =	shalt  }
0x5b: {  	_ =	shalt  }
0x5c: {  	_ =	shalt  }
0x5d: {  	_ =	shalt  }
0x5e: {  	_ =	shalt  }
0x5f: {  	_ =	shalt  }
0x60: {  	_ =	shalt  }
0x61: {  	_ =	shalt  }
0x62: {  	_ =	shalt  }
0x63: {  	_ =	shalt  }
0x64: {  	_ =	shalt  }
0x65: {  	_ =	shalt  }
0x66: {  	_ =	shalt  }
0x67: {  	_ =	shalt  }
0x68: {  	_ =	shalt  }
0x69: {  	_ =	shalt  }
0x6a: {  	_ =	shalt  }
0x6b: {  	_ =	shalt  }
0x6c: {  	_ =	shalt  }
0x6d: {  	_ =	shalt  }
0x6e: {  	_ =	shalt  }
0x6f: {  	_ =	shalt  }
0x70: {  	_ =	shalt  }
0x71: {  	_ =	shalt  }
0x72: {  	_ =	shalt  }
0x73: {  	_ =	shalt  }
0x74: {  	_ =	shalt  }
0x75: {  	_ =	shalt  }
0x76: {  	_ =	shalt  }
0x77: {  	_ =	shalt  }
0x78: {  	_ =	shalt  }
0x79: {  	_ =	shalt  }
0x7a: {  	_ =	shalt  }
0x7b: {  	_ =	shalt  }
0x7c: {  	_ =	shalt  }
0x7d: {  	_ =	shalt  }
0x7e: {  	_ =	shalt  }
0x7f: {  	_ =	shalt  }
0x80: {  	_ =	shalt  }
0x81: {  	_ =	shalt  }
0x82: {  	_ =	shalt  }
0x83: {  	_ =	shalt  }
0x84: {  	_ =	shalt  }
0x85: {  	_ =	shalt  }
0x86: {  	_ =	shalt  }
0x87: {  	_ =	shalt  }
.Lfunc_end0:
.L_simem_size_0:
called_computation_lowered:
.L_overlay_start_0:
0x88: {  	s2 =	sld [smem:$0x3FD9]  }
0x89: {  	s3 =	sld [smem:$0x3FFE];
	_ =	sdelay $0x1  }
0x8a: {  	s1 =	srdreg.scid  }
0x8b: {  	s0 =	sand.u32 $0x1, s1  }
0x8c: {  	s16 =	sshll.u32 s0, $0xA;
	s2 =	sadd.s32 s3, s2  }
0x8d: {  	s3 =	sadd.s32 s2, s16  }
0x8e: {  	[smem:$0x3FC6] =	sst s3  }
0x8f: {  	_ = 	snop  }
0x90: {  	(tm) =	ssettm $0x1  }
0x91: {  	s17 =	sld [smem:$0x3FFB];
	_ =	sdelay $0x3  }
0x92: {  	_ =	strace s17  }
0x93: {  	s3 =	sld [smem:$0x3FFC];
	_ =	sdelay $0x3  }
0x94: {  	_ =	strace s3  }
0x95: {  	s3 =	sld [smem:$0x3FFD];
	_ =	sdelay $0x3  }
0x96: {  	_ =	strace s3  }
0x97: {  	_ =	strace $0x8FFFFFFF  }
0x98: {  	s18 =	sld [smem:$0x3FDB];
	_ =	sdelay $0x1  }
0x99: {  	s4 =	simm.s32 $_scs_section_size  }
0x9a: {  	s5 =	simm.s32 $_size__tile_overlayer_lowered;
	s6 =	simm.s32 $_tile_overlayer_lowered  }
0x9b: {  	s21 =	simm.s32 $0x1BFF;
	s20 =	sshll.u32 s6, $0x1;
	s3 =	sadd.s32 s4, s18  }
0x9c: {  	s7 =	simm.s32 $0x0;
	s19 =	sshll.u32 s5, $0x1;
	s5 =	sadd.s32 s20, s3  }
0x9d: {  	[timem:s7], [sflag:s21] =	dma.local [hbm:s5], s19  }
0x9e: {  	_ =	swait.ge [sflag:s21], s19  }
0x9f: {  	s4 =	ssub.s32 $0x0, s19;
	[sflag:s21] =	ssyncset.done $0x0  }
0xa0: {  	[sflag:s21] =	ssyncadd.s32 s4;
	_ =	sdelay $0x1  }
0xa1: {  	s22 =	simm.s32 $0x1B8B  }
0xa2: {  	_ =	swait.ge [sflag:s22], $0x1  }
0xa3: {  	[sflag:s22] =	ssyncset.done $0x0  }
0xa4: {  	s24 =	simm.s32 $0x1B8E;
	s23 =	sld [smem:$0x3FFE];
	[sflag:s22] =	ssyncadd.s32 $0xFFFFFFFF  }
0xa5: {  	s25 =	simm.s32 $execute0_lowered;
	[smem:$0x3FD2] =	sst s24  }
0xa6: {  	s5 =	sshll.u32 s25, $0x1;
	_ =	strace $0x80000046;
	[dreg:$0x1] =	wrdreg $0xFFFFFFFF  }
0xa7: {  	s26 =	simm.s32 $_size_execute0_lowered;
	s3 =	sadd.s32 s3, s5;
	[dreg:$0x0] =	wrdreg $0x0  }
0xa8: {  	s5 =	sshll.u32 s26, $0x1;
	[dreg:$0x2] =	wrdreg s3  }
0xa9: {  	[dreg:$0x3] =	wrdreg s5  }
0xaa: {  	[dreg:$0x4] =	wrdreg $0xC0  }
0xab: {  	_ =	task [dreg:s7], $0x5FFFF  }
0xac: {  	[dreg:$0x1] =	wrdreg $0xFFFFFFFF  }
0xad: {  	[dreg:$0x0] =	wrdreg $0x60  }
0xae: {  	s28 =	sadd.s32 $0x800, s2;
	[dreg:$0x2] =	wrdreg s23  }
0xaf: {  	s2 =	sadd.s32 $0x20800, s2;
	[dreg:$0x3] =	wrdreg s28  }
0xb0: {  	[dreg:$0x4] =	wrdreg s2  }
0xb1: {  	[dreg:$0x5] =	wrdreg $0x9  }
0xb2: {  	_ =	task.clear_ibuf [dreg:s7], $0x6FFFF;
	_ =	strace $0x90000046  }
0xb3: {  	s29 =	simm.s32 $0x9;
	_ =	strace $0x80000048  }
0xb4: {  	_ =	swait.ge [sflag:s29], $0x1  }
0xb5: {  	[sflag:s29] =	ssyncadd.s32 $0xFFFFFFFF  }
0xb6: {  	_ =	strace $0x90000048  }
0xb7: {  	_ =	sfence  }
0xb8: {  	s30 =	sld [smem:$0x0];
	_ =	sdelay $0x2  }
0xb9: {  	s31 =	sshll.u32 s1, $0xD;
	s1 =	sshrl.u32 s1, $0x2  }
0xba: {  	s3 =	sand.u32 $0x4000, s31;
	s1 =	sadd.s32 s1, s30  }
0xbb: {  	s0 =	sor.u32 s3, s0;
	s1 =	sshll.u32 s1, $0x11  }
0xbc: {  	s0 =	sor.u32 s1, s0  }
0xbd: {  	s0 =	sadd.s32 $0x8F2B, s0  }
0xbe: {  	[sflag:s0] =	ssyncadd.remote.s32 $0x1  }
0xbf: {  	_ =	sfence.sel $0xFFFF  }
0xc0: {  	[dreg:$0x0] =	wrdreg $0xFFFFFFFF;
	(pc) =	sbr.abs _section_cstart, $3  }
0xc1: {  	[dreg:$0x1] =	wrdreg $0xFFFFFFFF  }
0xc2: {  	_ =	task.clear_ibuf [dreg:s7], $0x2FFFF;
	_ =	strace $0x9FFFFFFF  }
0xc3: {  	(tm) =	ssettm $0x7FFFFFFF  }
tec
execute0_lowered:
.L_overlay_start_1:
0x0: {  	(tag) =	ssettag $0x1  }
0x1: {  	s5 =	rddreg [dreg:$0x0]  }
0x2: {  	s2 =	rddreg [dreg:$0x1]  }
0x3: {  	s3 =	rddreg [dreg:$0x2]  }
0x4: {  	s0 =	rddreg [dreg:$0x3]  }
0x5: {  	s4 =	simm.s32 $0x0;
	s1 =	stileid.u32;
	s6 =	srdreg.scid  }
0x6: {  	s15 =	simm.s32 $0x80;
	s16 =	simm.s32 $0x400;
	s17 =	simm.s32 $0x7D00  }
0x7: {  	s18 =	simm.s32 $0xFD00;
	s19 =	simm.s32 $0x1BD00;
	s20 =	simm.s32 $0x0  }
0x8: {  	s7 =	sand.u32 $0x3, s1;
	s6 =	sand.u32 $0x1, s6;
	s8 =	sshll.u32 s1, $0xD  }
0x9: {  	[smem:$0x7FF] =	sst s4;
	s30 =	sshll.u32 s1, $0xC;
	s12 =	sshll.u32 s1, $0x4  }
0xa: {  	s9 =	smul.u32 $0xFA00, s7;
	s10 =	sshll.u32 s6, $0x11;
	s8 =	sand.u32 $0x18000, s8  }
0xb: {  	s7 =	sshll.u32 s7, $0xD;
	_ =	strace $0x80000047;
	s29 =	ssub.s32 $0x2, s6  }
0xc: {  	s6 =	sshll.u32 s6, $0x10;
	s31 =	sand.u32 $0x70, s12;
	s12 =	simm.s32 $0x1  }
0xd: {  	s8 =	sor.u32 s10, s8;
	s10 =	sand.u32 $0x8000, s30;
	s13 =	sshrl.u32 s29, $0x1  }
0xe: {  	s11 =	sadd.s32 s9, s5;
	s8 =	sor.u32 s7, s8;
	s10 =	sor.u32 s10, s6  }
0xf: {  	s9 =	ssub.s32 s29, s13;
	s6 =	sand.u32 $0x4, s1;
	s13 =	simm.s32 $0x3E80  }
0x10: {  	s8 =	sshrl.u32 s8, $0x3;
	s7 =	sor.u32 s7, s10;
	s9 =	smax.u32 s9, $0x1  }
0x11: {  	s8 =	sadd.s32 s8, s5;
	s5 =	sor.u32 s31, s10;
	s10 =	sadd.s32 $0x139000, s11  }
0x12: {  	v0 =	vimm.f32 $0.0e+00;
	v1 =	vimm.s32 $0x40000000;
	s11 =	sadd.s32 $0xFA800, s11;
	s8 =	sadd.s32 $0x800, s8;
	s14 =	sadd.s32 s5, s2  }
.LBB2_1:
0x13: {  	s21 =	simm.s32 $0x0  }
.LBB2_2:
0x14: {  	p0 =	sne.s32 s21, $0x1FFC0  }
.Ltmp0:
0x15: {  	_ = 	snop;
	(pc) =	sbr.rel @p0 .LBB2_2-.Ltmp0, $4  }
0x16: {  	_ = 	snop  }
0x17: {  	s22 =	sshra.s32 s21, $0x2  }
0x18: {  	[tilespmem:s22+$0x7D00] =	vst v0  }
0x19: {  	s21 =	sadd.s32 $0x40, s21;
	[tilespmem:s22+$0xFD00] =	vst v1  }
0x1a: {  	s21 =	sadd.s32 $0x0, s11  }
0x1b: {  	[tilespmem:s4], [sflag:$0x1] =	stream.linear.gather [hbm4b:s21+s4], $0x3E80, $0x38;
	[tilespmem:$0x1DD00] =	vst v63  }
0x1c: {  	_ =	swait.ge [sflag:s12], $0x3E80  }
0x1d: {  	[sflag:s12] =	ssyncset.done $0x0  }
0x1e: {  	s31 =	sadd.s32 $0x0, s10;
	[sflag:s12] =	ssyncadd.s32 $0xFFFFC180  }
0x1f: {  	[tilespmem:s13], [sflag:$0x1] =	stream.linear.gather [hbm4b:s31+s4], $0x3E80, $0x38;
	[tilespmem:$0x1DD00] =	vst v63  }
0x20: {  	_ =	swait.ge [sflag:s12], $0x3E80  }
0x21: {  	s22 =	simm.s32 $0xFA0;
	s21 =	simm.s32 $0x7D0;
	[sflag:s12] =	ssyncset.done $0x0  }
.LBB2_4:
0x22: {  	s23 =	sadd.s32 s21, s11  }
0x23: {  	[sflag:s12] =	ssyncadd.s32 $0xFFFFC180;
	s24 =	smov.u32 s22;
	s25 =	sadd.s32 $0x7D0, s22  }
0x24: {  	[tilespmem:s4], [sflag:$0x1] =	stream.linear.gather [hbm4b:s23+s4], $0x3E80, $0x38;
	[tilespmem:$0x1DD00] =	vst v63  }
0x25: {  	p0 =	sne.s32 s22, $0xF230;
	_ =	swait.ge [sflag:s12], $0x3E80  }
.Ltmp1:
0x26: {  	[sflag:s12] =	ssyncset.done $0x0;
	(pc) =	sbr.rel @p0 .LBB2_4-.Ltmp1, $4  }
0x27: {  	s22 =	sadd.s32 s21, s10;
	s21 =	smov.u32 s24;
	[sflag:s12] =	ssyncadd.s32 $0xFFFFC180  }
0x28: {  	[tilespmem:s13], [sflag:$0x1] =	stream.linear.gather [hbm4b:s22+s4], $0x3E80, $0x38;
	[tilespmem:$0x1DD00] =	vst v63  }
0x29: {  	_ =	swait.ge [sflag:s12], $0x3E80  }
0x2a: {  	s22 =	smov.u32 s25;
	[sflag:s12] =	ssyncset.done $0x0  }
0x2b: {  	s22 =	sadd.s32 s21, s11;
	[sflag:s12] =	ssyncadd.s32 $0xFFFFC180  }
0x2c: {  	[tilespmem:s4], [sflag:$0x1] =	stream.linear.gather [hbm4b:s22+s4], $0x3E80, $0x38;
	[tilespmem:$0x1DD00] =	vst v63  }
0x2d: {  	_ =	swait.ge [sflag:s12], $0x3E80  }
0x2e: {  	[sflag:s12] =	ssyncset.done $0x0  }
0x2f: {  	s30 =	sadd.s32 s21, s10;
	[sflag:s12] =	ssyncadd.s32 $0xFFFFC180  }
0x30: {  	[tilespmem:s13], [sflag:$0x1] =	stream.linear.gather [hbm4b:s30+s4], $0x3E80, $0x38;
	[tilespmem:$0x1DD00] =	vst v63  }
0x31: {  	_ =	swait.ge [sflag:s12], $0x3E80  }
0x32: {  	[sflag:s12] =	ssyncset.done $0x0  }
0x33: {  	[sflag:s12] =	ssyncadd.s32 $0xFFFFC180  }
0x34: {  	[hbm4b:s14+s15] =	stream.strided.scatter [tilespmem:s17], [sflag:$0x1], $0x8000, s16, s15, $0x38;
	[tilespmem:$0x1DD00] =	vst v63  }
0x35: {  	_ =	swait.ge [sflag:s12], $0x8000  }
0x36: {  	[sflag:s12] =	ssyncset.done $0x0  }
0x37: {  	s31 =	sadd.s32 s5, s3;
	[sflag:s12] =	ssyncadd.s32 $0xFFFF8000  }
0x38: {  	[hbm4b:s31+s15] =	stream.strided.scatter [tilespmem:s18], [sflag:$0x1], $0x8000, s16, s15, $0x38;
	[tilespmem:$0x1DD00] =	vst v63  }
.Ltmp2:
0x39: {  	_ =	swait.ge [sflag:s12], $0x8000;
	(pc) =	sbr.rel .LBB2_6-.Ltmp2, $4  }
0x3a: {  	[sflag:s12] =	ssyncset.done $0x0  }
0x3b: {  	[sflag:s12] =	ssyncadd.s32 $0xFFFF8000  }
0x3c: {  	[bflag:$0x0] =	sbarrier.arrive $0xFFFF  }
0x3d: {  	s21 =	simm.s32 $0x0;
	s22 =	simm.s32 $0x0  }
.LBB2_13:
0x3e: {  	s22 =	sadd.s32 $0x1, s22  }
0x3f: {  	p0 =	sne.s32 s22, $0x4  }
.Ltmp3:
0x40: {  	_ = 	snop;
	(pc) =	sbr.rel @!p0 .LBB2_14-.Ltmp3, $1  }
0x41: {  	_ =	sdelay $0x3  }
.LBB2_6:
0x42: {  	s23 =	sadd.s32 s6, s22  }
0x43: {  	s23 =	sshll.u32 s23, $0x4  }
0x44: {  	s23 =	sadd.s32 s7, s23  }
0x45: {  	s24 =	sadd.s32 s2, s23  }
0x46: {  	[tilespmem:s13], [sflag:$0x1] =	stream.strided.gather [hbm4b:s24+s15], $0x2000, s16, s15, $0x38;
	[tilespmem:$0x1DD00] =	vst v63  }
0x47: {  	_ =	swait.ge [sflag:s12], $0x2000  }
0x48: {  	p0 =	sne.s32 s22, $0x0;
	[sflag:s12] =	ssyncset.done $0x0  }
.Ltmp4:
0x49: {  	s23 =	sadd.s32 s3, s23;
	[sflag:s12] =	ssyncadd.s32 $0xFFFFE000;
	(pc) =	sbr.rel @!p0 .LBB2_7-.Ltmp4, $4  }
0x4a: {  	[tilespmem:s21], [sflag:$0x1] =	stream.strided.gather [hbm4b:s23+s15], $0x2000, s16, s15, $0x38;
	[tilespmem:$0x1DD00] =	vst v63  }
0x4b: {  	_ =	swait.ge [sflag:s12], $0x2000  }
0x4c: {  	[sflag:s12] =	ssyncset.done $0x0  }
0x4d: {  	s23 =	simm.s32 $0x0;
	[sflag:s12] =	ssyncadd.s32 $0xFFFFE000  }
0x4e: {  	v2 =	vld [tilespmem:s23+$0x3E80]  }
0x4f: {  	v3 =	vld [tilespmem:s23+$0x0]  }
0x50: {  	v4 =	vld [tilespmem:s23+$0x17D00]  }
0x51: {  	v5 =	vld [tilespmem:s23+$0x19D00];
	_ =	sdelay $0x4  }
0x52: {  	s24 =	simm.s32 $0x40;
	vm0 =	vgt.f32 v2, v4;
	vm1 =	veq.f32 v2, v4;
	vm2 =	vlt.s32 v3, v5  }
.LBB2_11:
0x53: {  	p0 =	sne.s32 s24, $0x7FC0;
	vm1 =	vmand vm1, vm2;
	s25 =	smov.u32 s24;
	s24 =	sadd.s32 $0x40, s24  }
0x54: {  	s25 =	sshra.s32 s25, $0x2;
	vm0 =	vmor vm0, vm1  }
0x55: {  	v4 =	vsel vm0, v2, v4;
	v2 =	vld [tilespmem:s25+$0x3E80];
	v5 =	vsel vm0, v3, v5  }
0x56: {  	v3 =	vld [tilespmem:s25+$0x0];
	[tilespmem:s23+$0x17D00] =	vst v4  }
0x57: {  	v4 =	vld [tilespmem:s25+$0x17D00];
	[tilespmem:s23+$0x19D00] =	vst v5;
	s23 =	smov.u32 s25  }
0x58: {  	v5 =	vld [tilespmem:s23+$0x19D00]  }
.Ltmp5:
0x59: {  	(pc) =	sbr.rel @p0 .LBB2_11-.Ltmp5, $3  }
0x5a: {  	_ =	sdelay $0x1  }
0x5b: {  	vm0 =	vgt.f32 v2, v4;
	vm1 =	veq.f32 v2, v4  }
0x5c: {  	vm2 =	vlt.s32 v3, v5  }
.Ltmp6:
0x5d: {  	vm1 =	vmand vm1, vm2;
	(pc) =	sbr.rel .LBB2_13-.Ltmp6, $4  }
0x5e: {  	vm0 =	vmor vm0, vm1  }
0x5f: {  	v2 =	vsel vm0, v2, v4  }
0x60: {  	v3 =	vsel vm0, v3, v5;
	[tilespmem:s23+$0x17D00] =	vst v2  }
0x61: {  	[tilespmem:s23+$0x19D00] =	vst v3  }
.LBB2_7:
0x62: {  	v2 =	vld [tilespmem:s23+$0x0]  }
0x63: {  	s24 =	simm.s32 $0x40;
	v3 =	vld [tilespmem:s23+$0x3E80]  }
.LBB2_8:
0x64: {  	p0 =	seq.s32 s24, $0x7FC0  }
.Ltmp7:
0x65: {  	_ = 	snop;
	(pc) =	sbr.rel @!p0 .LBB2_8-.Ltmp7, $4  }
0x66: {  	_ = 	snop  }
0x67: {  	s25 =	sshra.s32 s24, $0x2;
	s24 =	sadd.s32 $0x40, s24;
	[tilespmem:s23+$0x19D00] =	vst v2  }
0x68: {  	v2 =	vld [tilespmem:s25+$0x0];
	[tilespmem:s23+$0x17D00] =	vst v3;
	s23 =	smov.u32 s25  }
0x69: {  	v3 =	vld [tilespmem:s23+$0x3E80]  }
.Ltmp8:
0x6a: {  	_ = 	snop;
	(pc) =	sbr.rel .LBB2_13-.Ltmp8, $3  }
0x6b: {  	_ =	sdelay $0x1  }
0x6c: {  	[tilespmem:s23+$0x19D00] =	vst v2  }
0x6d: {  	[tilespmem:s23+$0x17D00] =	vst v3  }
.LBB2_14:
0x6e: {  	s21 =	simm.s32 $0x0  }
0x6f: {  	v3 =	vld [tilespmem:s21+$0x19D00];
	_ =	sdelay $0x2  }
0x70: {  	v2 =	vld [tilespmem:s21+$0x17D00]  }
0x71: {  	s22 =	simm.s32 $0x40  }
.LBB2_15:
0x72: {  	s23 =	sshra.s32 s22, $0x2;
	p0 =	sne.s32 s22, $0x7FC0;
	s22 =	sadd.s32 $0x40, s22;
	v4 =	vshra.s32 v3, $0xA  }
.Ltmp9:
0x73: {  	v3 =	vld [tilespmem:s23+$0x19D00];
	v4 =	vadd.s32 $0x1, v4;
	(pc) =	sbr.rel @p0 .LBB2_15-.Ltmp9, $4  }
0x74: {  	v4 =	vcvt.s32.f32 v4  }
0x75: {  	vm0 =	vge.f32 v2, $5.000000000e-01  }
0x76: {  	v2 =	vld [tilespmem:s23+$0x17D00];
	v4 =	vnsel vm0, $0x0, v4  }
0x77: {  	[tilespmem:s21+$0x1BD00] =	vst v4;
	s21 =	smov.u32 s23  }
0x78: {  	v3 =	vshra.s32 v3, $0xA  }
0x79: {  	v3 =	vadd.s32 $0x1, v3  }
0x7a: {  	v3 =	vcvt.s32.f32 v3  }
0x7b: {  	s20 =	sadd.s32 $0x1, s20;
	vm0 =	vge.f32 v2, $5.000000000e-01  }
0x7c: {  	p0 =	sne.s32 s20, s9;
	v2 =	vnsel vm0, $0x0, v3  }
.Ltmp10:
0x7d: {  	[tilespmem:s21+$0x1BD00] =	vst v2;
	(pc) =	sbr.rel @p0 .LBB2_1-.Ltmp10, $4  }
0x7e: {  	[hbm4b:s8+s4] =	stream.linear.scatter [tilespmem:s19], [sflag:$0x1], $0x2000, $0x38;
	[tilespmem:$0x1DD00] =	vst v63  }
0x7f: {  	_ =	swait.ge [sflag:s12], $0x2000  }
0x80: {  	[sflag:s12] =	ssyncset.done $0x0  }
0x81: {  	[sflag:s12] =	ssyncadd.s32 $0xFFFFE000  }
0x82: {  	_ =	sfence.sel $0x180000  }
0x83: {  	[bflag:$0x0] =	sbarrier.arrive $0xFFFF  }
0x84: {  	p0 =	sne.s32 s1, $0x0;
	_ =	strace $0x90000047  }
0x85: {  	s0 =	sadd.s32 @!p0 $0x100000, s0;
	[bflag:$0x2] =	sbarrier.arrive $0xFFFF  }
0x86: {  	[sflag:s0] =	ssyncadd.tile.s32 @!p0 $0x1;
	_ =	shalt  }
.Lfunc_end2:
_tile_overlayer_lowered:
.L_overlay_start_2:
0x87: {  	(tag) =	ssettag $0x2  }
0x88: {  	s0 =	rddreg [dreg:$0x0];
	s2 =	stileid.u32  }
0x89: {  	s1 =	rddreg [dreg:$0x1];
	p0 =	sne.s32 s2, $0x0  }
0x8a: {  	s3 =	rddreg [dreg:$0x2];
	[bflag:$0x3] =	sbarrier.arrive $0xFFFF;
	s2 =	simm.s32 @!p0 $0x1C01  }
0x8b: {  	[timem:s3], [sflag:s2] =	dma.local @!p0 [hbm:s0], s1  }
0x8c: {  	s0 =	simm.s32 @!p0 $0x1  }
0x8d: {  	_ =	swait.ge @!p0 [sflag:s0], s1  }
0x8e: {  	s1 =	ssub.s32 @!p0 $0x0, s1;
	[sflag:s0] =	ssyncset.done @!p0 $0x0  }
0x8f: {  	[sflag:s0] =	ssyncadd.s32 @!p0 s1  }
0x90: {  	[bflag:$0x3] =	sbarrier.arrive $0xFFFF  }
0x91: {  	_ =	shalt  }

</sc_bundles>
